<compile_context>
chip_gen: v7x
topology: tpu7x:2x2x1
jax: 0.10.2.dev20260603
libtpu: 0.0.44.dev20260713+nightly
codegen_flags: <defaults>
</compile_context>

<pallas_src>
import functools

import jax
import jax.numpy as jnp
from jax import lax
from jax.experimental import pallas as pl
from jax.experimental.pallas import tpu as pltpu
from jax.experimental.pallas import tpu_sc as plsc

N_NODES = 10000
HIDDEN = 128
EDGE_DIM = 64

NC, NS = 2, 16
NW = NC * NS
CHUNK = 80

EDGE_BLOCK = 10000
N_SLICES = 1


def _sc_gather(table, idx):
    n_rows = table.shape[0]
    e_pad = idx.shape[0]
    per_w = e_pad // NW
    n_chunks = per_w // CHUNK
    mesh = plsc.VectorSubcoreMesh(core_axis_name="c", subcore_axis_name="s")

    @functools.partial(
        pl.kernel,
        out_type=jax.ShapeDtypeStruct((e_pad, HIDDEN), jnp.float32),
        mesh=mesh,
        scratch_types=[
            pltpu.VMEM((per_w,), jnp.int32),
            pltpu.VMEM((CHUNK, HIDDEN), jnp.float32),
            pltpu.VMEM_SHARED((n_rows, HIDDEN), jnp.float32),
            pltpu.SemaphoreType.DMA,
        ],
    )
    def gather_kernel(table_hbm, idx_hbm, out_hbm, idx_v, rows_v, spm, sem):
        sid = lax.axis_index("s")
        wid = sid * NC + lax.axis_index("c")
        base = wid * per_w
        rows_per_sub = (n_rows // (8 * NS)) * 8
        tail_start = rows_per_sub * NS
        tail_rows = n_rows - tail_start
        pltpu.sync_copy(table_hbm.at[pl.ds(sid * rows_per_sub, rows_per_sub)],
                        spm.at[pl.ds(sid * rows_per_sub, rows_per_sub)])
        if tail_rows:
            pltpu.sync_copy(table_hbm.at[pl.ds(tail_start, tail_rows)],
                            spm.at[pl.ds(tail_start, tail_rows)])
        pltpu.sync_copy(idx_hbm.at[pl.ds(base, per_w)], idx_v)
        plsc.subcore_barrier()

        def body(j, _):
            pltpu.async_copy(
                spm.at[idx_v.at[pl.ds(j * CHUNK, CHUNK)]],
                rows_v, sem).wait()
            pltpu.sync_copy(rows_v, out_hbm.at[pl.ds(base + j * CHUNK, CHUNK)])
            return 0

        lax.fori_loop(0, n_chunks, body, 0)

    return gather_kernel(table, idx)


def _tc_linear_slice(g, edge_embedding, w_top, w_bot, b, n_edges,
                     block_off, prev=None):
    slice_blocks = g.shape[0] // EDGE_BLOCK

    def body(*refs):
        if prev is None:
            g_ref, e_ref, wt_ref, wb_ref, b_ref, o_ref = refs
        else:
            _, g_ref, e_ref, wt_ref, wb_ref, b_ref, o_ref = refs
        gf = g_ref[...].astype(jnp.float32)
        acc = jnp.dot(gf, wt_ref[...], preferred_element_type=jnp.float32)
        acc = acc + jnp.dot(e_ref[...], wb_ref[...],
                            preferred_element_type=jnp.float32)
        o_ref[...] = jnp.maximum(acc + b_ref[...], 0.0)

    in_specs = [
        pl.BlockSpec((EDGE_BLOCK, HIDDEN), lambda i: (i, 0)),
        pl.BlockSpec((EDGE_BLOCK, EDGE_DIM), lambda i: (i + block_off, 0)),
        pl.BlockSpec((HIDDEN, HIDDEN), lambda i: (0, 0)),
        pl.BlockSpec((EDGE_DIM, HIDDEN), lambda i: (0, 0)),
        pl.BlockSpec((1, HIDDEN), lambda i: (0, 0)),
    ]
    args = (g, edge_embedding, w_top, w_bot, b)
    aliases = {}
    if prev is not None:
        in_specs = [pl.BlockSpec((8, HIDDEN), lambda i: (0, 0))] + in_specs
        args = (prev,) + args
        aliases = {0: 0}

    return pl.pallas_call(
        body,
        grid=(slice_blocks,),
        in_specs=in_specs,
        out_specs=pl.BlockSpec((EDGE_BLOCK, HIDDEN),
                               lambda i: (i + block_off, 0)),
        out_shape=jax.ShapeDtypeStruct((n_edges, HIDDEN), jnp.float32),
        input_output_aliases=aliases,
    )(*args)


def kernel(atom_embedding, edge_index, edge_embedding, W, b):
    n_edges = edge_index.shape[1]
    src = edge_index[0]

    sl = n_edges // N_SLICES
    assert sl % (NW * CHUNK) == 0 and sl % EDGE_BLOCK == 0

    w_top, w_bot = W[:HIDDEN], W[HIDDEN:]
    b2 = b.reshape(1, HIDDEN)

    out = None
    for k in range(N_SLICES):
        g = _sc_gather(atom_embedding,
                       lax.slice(src, (k * sl,), ((k + 1) * sl,)))
        out = _tc_linear_slice(g, edge_embedding, w_top, w_bot, b2,
                               n_edges, k * (sl // EDGE_BLOCK), prev=out)
    return out

# --- scband reference (transcript-rebuilt; emitter-appended) ---
"""Pipeline reference for scband-atom2-bond-layer-5119601016920 (READ-ONLY COPY).

The authoritative reference and input builder live on the scoring server;
editing this copy changes nothing except your own understanding.
"""

import jax, jax.numpy as jnp
import numpy as np

N_NODES = 10000
N_EDGES = 320000
HIDDEN = 128
EDGE_DIM = 64  # hidden_dim / 2, so concat dim = 1.5*hidden_dim = 192
IN_DIM = HIDDEN + EDGE_DIM


def setup_inputs(seed: int = 0) -> dict:
    key = jax.random.key(seed)
    k1, k2, k3, k4 = jax.random.split(key, 4)
    atom_embedding = jax.random.normal(k1, (N_NODES, HIDDEN), dtype=jnp.float32)
    edge_index = jax.random.randint(k2, (2, N_EDGES), 0, N_NODES, dtype=jnp.int32)
    edge_embedding = jax.random.normal(k3, (N_EDGES, EDGE_DIM), dtype=jnp.float32)
    # lin1: nn.Linear(in_dim=192, out_dim=128, bias=True) followed by ReLU
    W = jax.random.normal(k4, (IN_DIM, HIDDEN), dtype=jnp.float32) * 0.05
    b = jnp.zeros((HIDDEN,), dtype=jnp.float32)
    return {
        "atom_embedding": atom_embedding,
        "edge_index": edge_index,
        "edge_embedding": edge_embedding,
        "W": W,
        "b": b,
    }


def reference(atom_embedding, edge_index, edge_embedding, W, b):
    # g.apply_edges(src_cat_edge): for each edge e=(u->v),
    # h_e = cat(atom_embedding[u], edge_embedding[e])
    src = edge_index[0]
    src_feat = jnp.take(atom_embedding, src, axis=0)  # gather [E, HIDDEN]
    h = jnp.concatenate([src_feat, edge_embedding], axis=-1)  # [E, 1.5*HIDDEN]
    # DenseLayer: ReLU(Linear(h))
    out = jax.nn.relu(h @ W + b)  # [E, HIDDEN]
    return out

if __name__ == "__main__":
    import jax
    _d = setup_inputs()
    print(jax.jit(kernel)(*tuple(_d.values())))

</pallas_src>

<mosaic_0001>
#map = affine_map<(d0, d1) -> (0, 0)>
#map1 = affine_map<(d0, d1) -> (0)>
module attributes {stable_mosaic.version = 14 : i64} {
  func.func @gather_kernel(%arg0: i32, %arg1: i32, %arg2: memref<10000x128xf32, #tpu.memory_space<hbm>>, %arg3: memref<320000xi32, #tpu.memory_space<hbm>>, %arg4: memref<320000x128xf32, #tpu.memory_space<hbm>>, %arg5: memref<10000xi32, #tpu.memory_space<vmem>>, %arg6: memref<80x128xf32, #tpu.memory_space<vmem>>, %arg7: memref<10000x128xf32, #tpu.memory_space<vmem_shared>>, %arg8: memref<!tpu.dma_semaphore, #tpu.memory_space<semaphore_mem>>) attributes {dimension_semantics = [#tpu.dimension_semantics<core_parallel>, #tpu.dimension_semantics<subcore_parallel>], iteration_bounds = array<i64: 2, 16>, scalar_prefetch = 0 : i64, scratch_operands = 4 : i64, tpu.core_type = #tpu.core_type<sc_vector_subcore>, window_params = [{transform_indices = #map}, {transform_indices = #map1}, {transform_indices = #map}]} {
    %mul3A = arith.constant 2 : i32
    %mul3A_0 = arith.muli %arg1, %mul3A : i32
    %add3A = arith.addi %mul3A_0, %arg0 : i32
    %mul3A_1 = arith.constant 10000 : i32
    %mul3A_2 = arith.muli %add3A, %mul3A_1 : i32
    %mul3A_3 = arith.constant 624 : i32
    %mul3A_4 = arith.muli %arg1, %mul3A_3 : i32
    %mul3A_5 = arith.constant 624 : i32
    %mul3A_6 = arith.muli %arg1, %mul3A_5 : i32
    "tpu.region"() ({
      %run_scoped3A = tpu.sem_alloc : memref<!tpu.dma_semaphore, #tpu.memory_space<semaphore_mem>>
      %dma_start3A = arith.constant 0 : i32
      %dma_start3A_13 = tpu.memref_slice %arg7[%mul3A_6, %dma_start3A] : memref<10000x128xf32, #tpu.memory_space<vmem_shared>> -> memref<624x128xf32, #tpu.memory_space<vmem_shared>>
      %dma_start3A_14 = arith.constant 0 : i32
      %dma_start3A_15 = tpu.memref_slice %arg2[%mul3A_4, %dma_start3A_14] : memref<10000x128xf32, #tpu.memory_space<hbm>> -> memref<624x128xf32, #tpu.memory_space<hbm>>
      tpu.enqueue_dma source(%dma_start3A_15 : memref<624x128xf32, #tpu.memory_space<hbm>>) target(%dma_start3A_13 : memref<624x128xf32, #tpu.memory_space<vmem_shared>>) target_semaphore(%run_scoped3A : memref<!tpu.dma_semaphore, #tpu.memory_space<semaphore_mem>>)
      %dma_wait3A = arith.constant 0 : i32
      %dma_wait3A_16 = tpu.memref_slice %arg7[%mul3A_6, %dma_wait3A] : memref<10000x128xf32, #tpu.memory_space<vmem_shared>> -> memref<624x128xf32, #tpu.memory_space<vmem_shared>>
      %dma_wait3A_17 = arith.constant 0 : i32
      %dma_wait3A_18 = tpu.memref_slice %arg2[%mul3A_4, %dma_wait3A_17] : memref<10000x128xf32, #tpu.memory_space<hbm>> -> memref<624x128xf32, #tpu.memory_space<hbm>>
      tpu.wait_dma2 semaphore(%run_scoped3A : memref<!tpu.dma_semaphore, #tpu.memory_space<semaphore_mem>>) src(%dma_wait3A_18 : memref<624x128xf32, #tpu.memory_space<hbm>>) dst(%dma_wait3A_16 : memref<624x128xf32, #tpu.memory_space<vmem_shared>>)
      tpu.yield
    }) : () -> ()
    "tpu.region"() ({
      %run_scoped3A = tpu.sem_alloc : memref<!tpu.dma_semaphore, #tpu.memory_space<semaphore_mem>>
      %dma_start3A = arith.constant 9984 : i32
      %dma_start3A_13 = arith.constant 0 : i32
      %dma_start3A_14 = tpu.memref_slice %arg7[%dma_start3A, %dma_start3A_13] : memref<10000x128xf32, #tpu.memory_space<vmem_shared>> -> memref<16x128xf32, #tpu.memory_space<vmem_shared>>
      %dma_start3A_15 = arith.constant 9984 : i32
      %dma_start3A_16 = arith.constant 0 : i32
      %dma_start3A_17 = tpu.memref_slice %arg2[%dma_start3A_15, %dma_start3A_16] : memref<10000x128xf32, #tpu.memory_space<hbm>> -> memref<16x128xf32, #tpu.memory_space<hbm>>
      tpu.enqueue_dma source(%dma_start3A_17 : memref<16x128xf32, #tpu.memory_space<hbm>>) target(%dma_start3A_14 : memref<16x128xf32, #tpu.memory_space<vmem_shared>>) target_semaphore(%run_scoped3A : memref<!tpu.dma_semaphore, #tpu.memory_space<semaphore_mem>>)
      %dma_wait3A = arith.constant 9984 : i32
      %dma_wait3A_18 = arith.constant 0 : i32
      %dma_wait3A_19 = tpu.memref_slice %arg7[%dma_wait3A, %dma_wait3A_18] : memref<10000x128xf32, #tpu.memory_space<vmem_shared>> -> memref<16x128xf32, #tpu.memory_space<vmem_shared>>
      %dma_wait3A_20 = arith.constant 9984 : i32
      %dma_wait3A_21 = arith.constant 0 : i32
      %dma_wait3A_22 = tpu.memref_slice %arg2[%dma_wait3A_20, %dma_wait3A_21] : memref<10000x128xf32, #tpu.memory_space<hbm>> -> memref<16x128xf32, #tpu.memory_space<hbm>>
      tpu.wait_dma2 semaphore(%run_scoped3A : memref<!tpu.dma_semaphore, #tpu.memory_space<semaphore_mem>>) src(%dma_wait3A_22 : memref<16x128xf32, #tpu.memory_space<hbm>>) dst(%dma_wait3A_19 : memref<16x128xf32, #tpu.memory_space<vmem_shared>>)
      tpu.yield
    }) : () -> ()
    "tpu.region"() ({
      %run_scoped3A = tpu.sem_alloc : memref<!tpu.dma_semaphore, #tpu.memory_space<semaphore_mem>>
      %dma_start3A = tpu.memref_slice %arg3[%mul3A_2] : memref<320000xi32, #tpu.memory_space<hbm>> -> memref<10000xi32, #tpu.memory_space<hbm>>
      %dma_start3A_13 = tpu.memref_slice %arg3[%mul3A_2] : memref<320000xi32, #tpu.memory_space<hbm>> -> memref<10000xi32, #tpu.memory_space<hbm>>
      tpu.enqueue_dma source(%dma_start3A_13 : memref<10000xi32, #tpu.memory_space<hbm>>) target(%arg5 : memref<10000xi32, #tpu.memory_space<vmem>>) target_semaphore(%run_scoped3A : memref<!tpu.dma_semaphore, #tpu.memory_space<semaphore_mem>>)
      %dma_wait3A = tpu.memref_slice %arg3[%mul3A_2] : memref<320000xi32, #tpu.memory_space<hbm>> -> memref<10000xi32, #tpu.memory_space<hbm>>
      %dma_wait3A_14 = tpu.memref_slice %arg3[%mul3A_2] : memref<320000xi32, #tpu.memory_space<hbm>> -> memref<10000xi32, #tpu.memory_space<hbm>>
      tpu.wait_dma2 semaphore(%run_scoped3A : memref<!tpu.dma_semaphore, #tpu.memory_space<semaphore_mem>>) src(%dma_wait3A_14 : memref<10000xi32, #tpu.memory_space<hbm>>) dst(%arg5 : memref<10000xi32, #tpu.memory_space<vmem>>)
      tpu.yield
    }) : () -> ()
    %barrier3A = arith.constant 0 : index
    tpu.barrier barrier_id(%barrier3A)
    %scan3A = arith.constant 0 : i32
    %scan3A_7 = arith.constant 0 : i32
    %scan3A_8 = arith.constant 125 : i32
    %scan3A_9 = arith.addi %scan3A_7, %scan3A_8 : i32
    %scan3A_10 = arith.constant 1 : i32
    %scan3A_11 = scf.for %scan3A_13 = %scan3A_7 to %scan3A_9 step %scan3A_10 iter_args(%scan3A_14 = %scan3A) -> (i32)  : i32 {
      %mul3A_15 = arith.constant 80 : i32
      %mul3A_16 = arith.muli %scan3A_13, %mul3A_15 : i32
      %dma_start3A = tpu.memref_slice %arg5[%mul3A_16] : memref<10000xi32, #tpu.memory_space<vmem>> -> memref<80xi32, #tpu.memory_space<vmem>>
      %dma_start3A_17 = arith.constant 0 : i32
      %dma_start3A_18 = arith.constant 0 : i32
      %dma_start3A_19 = tpu.memref_slice %arg7[%dma_start3A_17, %dma_start3A_18] : memref<10000x128xf32, #tpu.memory_space<vmem_shared>> -> memref<10000x128xf32, #tpu.memory_space<vmem_shared>>
      tpu.enqueue_indirect_dma source(%dma_start3A_19 : memref<10000x128xf32, #tpu.memory_space<vmem_shared>>) target(%arg6 : memref<80x128xf32, #tpu.memory_space<vmem>>) offsets(%dma_start3A : memref<80xi32, #tpu.memory_space<vmem>>) semaphore(%arg8 : memref<!tpu.dma_semaphore, #tpu.memory_space<semaphore_mem>>)
      %dma_wait3A = tpu.memref_slice %arg5[%mul3A_16] : memref<10000xi32, #tpu.memory_space<vmem>> -> memref<80xi32, #tpu.memory_space<vmem>>
      %dma_wait3A_20 = arith.constant 0 : i32
      %dma_wait3A_21 = arith.constant 0 : i32
      %dma_wait3A_22 = tpu.memref_slice %arg7[%dma_wait3A_20, %dma_wait3A_21] : memref<10000x128xf32, #tpu.memory_space<vmem_shared>> -> memref<10000x128xf32, #tpu.memory_space<vmem_shared>>
      tpu.wait_indirect_dma semaphore(%arg8 : memref<!tpu.dma_semaphore, #tpu.memory_space<semaphore_mem>>) src(%dma_wait3A_22 : memref<10000x128xf32, #tpu.memory_space<vmem_shared>>) dst(%arg6 : memref<80x128xf32, #tpu.memory_space<vmem>>)
      %mul3A_23 = arith.constant 80 : i32
      %mul3A_24 = arith.muli %scan3A_13, %mul3A_23 : i32
      %add3A_25 = arith.addi %mul3A_2, %mul3A_24 : i32
      "tpu.region"() ({
        %run_scoped3A = tpu.sem_alloc : memref<!tpu.dma_semaphore, #tpu.memory_space<semaphore_mem>>
        %dma_start3A_27 = arith.constant 0 : i32
        %dma_start3A_28 = tpu.memref_slice %arg4[%add3A_25, %dma_start3A_27] : memref<320000x128xf32, #tpu.memory_space<hbm>> -> memref<80x128xf32, #tpu.memory_space<hbm>>
        %dma_start3A_29 = arith.constant 0 : i32
        %dma_start3A_30 = tpu.memref_slice %arg4[%add3A_25, %dma_start3A_29] : memref<320000x128xf32, #tpu.memory_space<hbm>> -> memref<80x128xf32, #tpu.memory_space<hbm>>
        tpu.enqueue_dma source(%arg6 : memref<80x128xf32, #tpu.memory_space<vmem>>) target(%dma_start3A_30 : memref<80x128xf32, #tpu.memory_space<hbm>>) target_semaphore(%run_scoped3A : memref<!tpu.dma_semaphore, #tpu.memory_space<semaphore_mem>>)
        %dma_wait3A_31 = arith.constant 0 : i32
        %dma_wait3A_32 = tpu.memref_slice %arg4[%add3A_25, %dma_wait3A_31] : memref<320000x128xf32, #tpu.memory_space<hbm>> -> memref<80x128xf32, #tpu.memory_space<hbm>>
        %dma_wait3A_33 = arith.constant 0 : i32
        %dma_wait3A_34 = tpu.memref_slice %arg4[%add3A_25, %dma_wait3A_33] : memref<320000x128xf32, #tpu.memory_space<hbm>> -> memref<80x128xf32, #tpu.memory_space<hbm>>
        tpu.wait_dma2 semaphore(%run_scoped3A : memref<!tpu.dma_semaphore, #tpu.memory_space<semaphore_mem>>) src(%arg6 : memref<80x128xf32, #tpu.memory_space<vmem>>) dst(%dma_wait3A_34 : memref<80x128xf32, #tpu.memory_space<hbm>>)
        tpu.yield
      }) : () -> ()
      %scan3A_26 = arith.constant 0 : i32
      scf.yield %scan3A_26 : i32
    }
    %scan3A_12 = arith.constant 125 : i32
    return
  }
}

module attributes {stable_mosaic.version = 14 : i64} {
  func.func @body(%arg0: i32, %arg1: memref<10000x128xf32, #tpu.memory_space<vmem>>, %arg2: memref<10000x64xf32, #tpu.memory_space<vmem>>, %arg3: memref<128x128xf32, #tpu.memory_space<vmem>>, %arg4: memref<64x128xf32, #tpu.memory_space<vmem>>, %arg5: memref<1x128xf32, #tpu.memory_space<vmem>>, %arg6: memref<10000x128xf32, #tpu.memory_space<vmem>>) attributes {dimension_semantics = [#tpu.dimension_semantics<arbitrary>], iteration_bounds = array<i64: 32>, scalar_prefetch = 0 : i64, scratch_operands = 0 : i64, tpu.core_type = #tpu.core_type<tc>, window_params = [{transform_indices = @transform_0, window_bounds = array<i64: 10000, 128>}, {transform_indices = @transform_1, window_bounds = array<i64: 10000, 64>}, {pipeline_mode = #tpu.pipeline_mode<synchronous>, transform_indices = @transform_2, window_bounds = array<i64: 128, 128>}, {pipeline_mode = #tpu.pipeline_mode<synchronous>, transform_indices = @transform_3, window_bounds = array<i64: 64, 128>}, {pipeline_mode = #tpu.pipeline_mode<synchronous>, transform_indices = @transform_4, window_bounds = array<i64: 1, 128>}, {transform_indices = @transform_5, window_bounds = array<i64: 10000, 128>}]} {
    %get3A = arith.constant 0 : index
    %get3A_0 = arith.constant 0 : index
    %get3A_1 = vector.load %arg1[%get3A, %get3A_0] : memref<10000x128xf32, #tpu.memory_space<vmem>>, vector<10000x128xf32>
    %get3A_2 = arith.constant 0 : index
    %get3A_3 = arith.constant 0 : index
    %get3A_4 = vector.load %arg3[%get3A_2, %get3A_3] : memref<128x128xf32, #tpu.memory_space<vmem>>, vector<128x128xf32>
    %dot_general3A = arith.constant dense<0.000000e+00> : vector<10000x128xf32>
    %dot_general3A_5 = tpu.matmul %get3A_1, %get3A_4, %dot_general3A {dimension_numbers = #tpu.dot_dimension_numbers<[1], [0], [0], [1], [0, 0, 1, 1], [], []>, transpose_lhs_hint = false} : vector<10000x128xf32>, vector<128x128xf32>, vector<10000x128xf32> -> vector<10000x128xf32>
    %get3A_6 = arith.constant 0 : index
    %get3A_7 = arith.constant 0 : index
    %get3A_8 = vector.load %arg2[%get3A_6, %get3A_7] : memref<10000x64xf32, #tpu.memory_space<vmem>>, vector<10000x64xf32>
    %get3A_9 = arith.constant 0 : index
    %get3A_10 = arith.constant 0 : index
    %get3A_11 = vector.load %arg4[%get3A_9, %get3A_10] : memref<64x128xf32, #tpu.memory_space<vmem>>, vector<64x128xf32>
    %dot_general3A_12 = arith.constant dense<0.000000e+00> : vector<10000x128xf32>
    %dot_general3A_13 = tpu.matmul %get3A_8, %get3A_11, %dot_general3A_12 {dimension_numbers = #tpu.dot_dimension_numbers<[1], [0], [0], [1], [0, 0, 1, 1], [], []>, transpose_lhs_hint = false} : vector<10000x64xf32>, vector<64x128xf32>, vector<10000x128xf32> -> vector<10000x128xf32>
    %add3A = arith.addf %dot_general3A_5, %dot_general3A_13 : vector<10000x128xf32>
    %get3A_14 = arith.constant 0 : index
    %get3A_15 = arith.constant 0 : index
    %get3A_16 = vector.load %arg5[%get3A_14, %get3A_15] : memref<1x128xf32, #tpu.memory_space<vmem>>, vector<1x128xf32>
    %add3A_17 = vector.broadcast %get3A_16 : vector<1x128xf32> to vector<10000x128xf32>
    %add3A_18 = arith.addf %add3A, %add3A_17 : vector<10000x128xf32>
    %max3A = arith.constant 0.000000e+00 : f32
    %max3A_19 = vector.broadcast %max3A : f32 to vector<10000x128xf32>
    %max3A_20 = arith.maximumf %add3A_18, %max3A_19 : vector<10000x128xf32>
    %swap3A = arith.constant 0 : index
    %swap3A_21 = arith.constant 0 : index
    %swap3A_22 = vector.load %arg6[%swap3A, %swap3A_21] : memref<10000x128xf32, #tpu.memory_space<vmem>>, vector<10000x128xf32>
    tpu.vector_store %arg6[%swap3A, %swap3A_21], %max3A_20 {strides = array<i32>} : memref<10000x128xf32, #tpu.memory_space<vmem>>, vector<10000x128xf32>,
    return
  }
  func.func @transform_0(%arg0: i32) -> (i32, i32) {
    %c0_i32 = arith.constant 0 : i32
    %c0_i32_0 = arith.constant 0 : i32
    return %arg0, %c0_i32 : i32, i32
  }
  func.func @transform_1(%arg0: i32) -> (i32, i32) {
    %add3A = arith.constant 0 : i32
    %add3A_0 = arith.addi %arg0, %add3A : i32
    %c0_i32 = arith.constant 0 : i32
    %c0_i32_1 = arith.constant 0 : i32
    return %add3A_0, %c0_i32 : i32, i32
  }
  func.func @transform_2(%arg0: i32) -> (i32, i32) {
    %c0_i32 = arith.constant 0 : i32
    %c0_i32_0 = arith.constant 0 : i32
    %c0_i32_1 = arith.constant 0 : i32
    return %c0_i32, %c0_i32_0 : i32, i32
  }
  func.func @transform_3(%arg0: i32) -> (i32, i32) {
    %c0_i32 = arith.constant 0 : i32
    %c0_i32_0 = arith.constant 0 : i32
    %c0_i32_1 = arith.constant 0 : i32
    return %c0_i32, %c0_i32_0 : i32, i32
  }
  func.func @transform_4(%arg0: i32) -> (i32, i32) {
    %c0_i32 = arith.constant 0 : i32
    %c0_i32_0 = arith.constant 0 : i32
    %c0_i32_1 = arith.constant 0 : i32
    return %c0_i32, %c0_i32_0 : i32, i32
  }
  func.func @transform_5(%arg0: i32) -> (i32, i32) {
    %add3A = arith.constant 0 : i32
    %add3A_0 = arith.addi %arg0, %add3A : i32
    %c0_i32 = arith.constant 0 : i32
    %c0_i32_1 = arith.constant 0 : i32
    return %add3A_0, %c0_i32 : i32, i32
  }
}

</mosaic_0001>

<sc_bundles>
// kernel: kernel.4.cloned.1.call-start
scs
__scs_entry_jumppad:
0x0: {  	(pc) =	sbr.rel $0x88, $3  }
0x1: {  	(tag) =	ssettag $0x0;
	lr =	simm.s32 $0x1  }
0x2: {  	[smem:$0x3F9C] =	sst lr;
	_ =	strace $0xD0000000  }
0x3: {  	_ = 	snop  }
0x4: {  	_ = 	snop  }
0x5: {  	_ = 	snop  }
0x6: {  	_ = 	snop  }
0x7: {  	_ = 	snop  }
__scs_overlays_trampoline_lowered:
0x8: {  	[smem:$0x3FAB] =	sst s0  }
0x9: {  	[smem:$0x3FAC] =	sst s1  }
0xa: {  	[smem:$0x3FAD] =	sst s2  }
0xb: {  	[smem:$0x3FAE] =	sst s3  }
0xc: {  	[smem:$0x3FAF] =	sst s4  }
0xd: {  	[smem:$0x3FB0] =	sst s5  }
0xe: {  	[smem:$0x3FB1] =	sst s6  }
0xf: {  	[smem:$0x3FB2] =	sst s7  }
0x10: {  	[smem:$0x3FB3] =	sst s8  }
0x11: {  	[smem:$0x3FB4] =	sst s9;
	s0 =	simm.s32 @!p0 $0x0  }
0x12: {  	s1 =	sld [smem:$0x3F9A];
	s0 =	simm.s32 @p0 $0x1  }
0x13: {  	[smem:$0x3FB5] =	sst s0;
	s0 =	simm.s32 @!p1 $0x0  }
0x14: {  	s2 =	sld [smem:$0x3F99];
	s0 =	simm.s32 @p1 $0x1  }
0x15: {  	[smem:$0x3FB6] =	sst s0;
	s0 =	simm.s32 @!p2 $0x0  }
0x16: {  	s3 =	sld [smem:$0x3FDB];
	s0 =	simm.s32 @p2 $0x1  }
0x17: {  	s4 =	simm.s32 $0x1BF5;
	[smem:$0x3FB8] =	sst s0  }
0x18: {  	s0 =	sld [smem:$0x3F9B];
	_ =	swait.ge [sflag:s4], $0x0  }
0x19: {  	s7 =	sld [smem:$0x3F9C]  }
0x1a: {  	s8 =	sadd.s32 $0xFFFFE003, lr  }
0x1b: {  	s9 =	sadd.s32 $0xFFFFFEF7, lr;
	s5 =	simm.s32 $0xFFFFFFFF;
	p2 =	slt.u32 s8, $0xFFFFF086  }
0x1c: {  	p1 =	slt.u32 s9, $0xF7A;
	s5 =	simm.s32 @!p2 $0x0  }
0x1d: {  	s5 =	simm.s32 @p1 $0x1;
	p0 =	seq.s32 s7, s2  }
0x1e: {  	s7 =	smul.u32 @!p0 $0xF7A, s2;
	p2 =	seq.s32 @!p0 s5, $0x0  }
0x1f: {  	s9 =	smul.u32 $0xF7A, s1;
	s8 =	simm.s32 @!p0 $0x1BF5;
	p2 =	por !p2, p0  }
0x20: {  	[sflag:s8] =	ssyncset.s32 @!p0 $0xFFFFF086;
	s6 =	sadd.s32 @!p0 s3, s7;
	s7 =	simm.s32 @!p0 $0x108  }
0x21: {  	s3 =	sadd.s32 s3, s9;
	s6 =	sadd.s32 @!p0 $0x88, s6;
	s7 =	simm.s32 @p2 $0x1082  }
0x22: {  	[simem:s7], [sflag:s8] =	dma.local @!p0 [hbm:s6], $0xF7A  }
0x23: {  	s9 =	sor.u32 $0xD0000000, s2;
	s6 =	simm.s32 $0x108;
	_ =	swait.ge @!p0 [sflag:s8], $0x0  }
0x24: {  	s3 =	sadd.s32 $0x88, s3;
	s6 =	simm.s32 @!p1 $0x1082;
	[sflag:s4] =	ssyncset.s32 $0xFFFFF086  }
0x25: {  	[simem:s6], [sflag:s4] =	dma.local [hbm:s3], $0xF7A  }
0x26: {  	[smem:$0x3F9C] =	sst s1;
	(tag) =	ssettag s2;
	_ =	strace s9  }
0x27: {  	s1 =	sld [smem:$0x3FAC]  }
0x28: {  	s2 =	sld [smem:$0x3FAD]  }
0x29: {  	s4 =	sld [smem:$0x3FAF]  }
0x2a: {  	p0 =	seq.s32 s5, $0x0;
	s5 =	sld [smem:$0x3FB0]  }
0x2b: {  	s6 =	sld [smem:$0x3FB1]  }
0x2c: {  	s7 =	sld [smem:$0x3FB2]  }
0x2d: {  	s3 =	simm.s32 $0x108;
	s8 =	sld [smem:$0x3FB3]  }
0x2e: {  	s3 =	simm.s32 @!p0 $0x1082;
	s9 =	sld [smem:$0x3FB4]  }
0x2f: {  	lr =	sadd.s32 s0, s3;
	s0 =	sld [smem:$0x3FAB]  }
0x30: {  	s3 =	sld [smem:$0x3FAE]  }
0x31: {  	[smem:$0x3FB7] =	sst s10  }
0x32: {  	s10 =	sld [smem:$0x3FB5];
	_ =	sdelay $0x3  }
0x33: {  	p0 =	seq.s32 s10, $0x1;
	s10 =	sld [smem:$0x3FB7];
	_ =	sdelay $0x3  }
0x34: {  	[smem:$0x3FB7] =	sst s10  }
0x35: {  	s10 =	sld [smem:$0x3FB6];
	_ =	sdelay $0x3  }
0x36: {  	p1 =	seq.s32 s10, $0x1;
	s10 =	sld [smem:$0x3FB7];
	_ =	sdelay $0x3  }
0x37: {  	[smem:$0x3FB7] =	sst s10  }
0x38: {  	s10 =	sld [smem:$0x3FB8]  }
0x39: {  	_ = 	snop;
	(pc) =	sbr.ind lr, $3  }
0x3a: {  	_ = 	snop  }
0x3b: {  	_ = 	snop  }
0x3c: {  	p2 =	seq.s32 s10, $0x1;
	s10 =	sld [smem:$0x3FB7]  }
0x3d: {  	_ =	shalt  }
0x3e: {  	_ =	shalt  }
0x3f: {  	_ =	shalt  }
0x40: {  	_ =	shalt  }
0x41: {  	_ =	shalt  }
0x42: {  	_ =	shalt  }
0x43: {  	_ =	shalt  }
0x44: {  	_ =	shalt  }
0x45: {  	_ =	shalt  }
0x46: {  	_ =	shalt  }
0x47: {  	_ =	shalt  }
0x48: {  	_ =	shalt  }
0x49: {  	_ =	shalt  }
0x4a: {  	_ =	shalt  }
0x4b: {  	_ =	shalt  }
0x4c: {  	_ =	shalt  }
0x4d: {  	_ =	shalt  }
0x4e: {  	_ =	shalt  }
0x4f: {  	_ =	shalt  }
0x50: {  	_ =	shalt  }
0x51: {  	_ =	shalt  }
0x52: {  	_ =	shalt  }
0x53: {  	_ =	shalt  }
0x54: {  	_ =	shalt  }
0x55: {  	_ =	shalt  }
0x56: {  	_ =	shalt  }
0x57: {  	_ =	shalt  }
0x58: {  	_ =	shalt  }
0x59: {  	_ =	shalt  }
0x5a: {  	_ =	shalt  }
0x5b: {  	_ =	shalt  }
0x5c: {  	_ =	shalt  }
0x5d: {  	_ =	shalt  }
0x5e: {  	_ =	shalt  }
0x5f: {  	_ =	shalt  }
0x60: {  	_ =	shalt  }
0x61: {  	_ =	shalt  }
0x62: {  	_ =	shalt  }
0x63: {  	_ =	shalt  }
0x64: {  	_ =	shalt  }
0x65: {  	_ =	shalt  }
0x66: {  	_ =	shalt  }
0x67: {  	_ =	shalt  }
0x68: {  	_ =	shalt  }
0x69: {  	_ =	shalt  }
0x6a: {  	_ =	shalt  }
0x6b: {  	_ =	shalt  }
0x6c: {  	_ =	shalt  }
0x6d: {  	_ =	shalt  }
0x6e: {  	_ =	shalt  }
0x6f: {  	_ =	shalt  }
0x70: {  	_ =	shalt  }
0x71: {  	_ =	shalt  }
0x72: {  	_ =	shalt  }
0x73: {  	_ =	shalt  }
0x74: {  	_ =	shalt  }
0x75: {  	_ =	shalt  }
0x76: {  	_ =	shalt  }
0x77: {  	_ =	shalt  }
0x78: {  	_ =	shalt  }
0x79: {  	_ =	shalt  }
0x7a: {  	_ =	shalt  }
0x7b: {  	_ =	shalt  }
0x7c: {  	_ =	shalt  }
0x7d: {  	_ =	shalt  }
0x7e: {  	_ =	shalt  }
0x7f: {  	_ =	shalt  }
0x80: {  	_ =	shalt  }
0x81: {  	_ =	shalt  }
0x82: {  	_ =	shalt  }
0x83: {  	_ =	shalt  }
0x84: {  	_ =	shalt  }
0x85: {  	_ =	shalt  }
0x86: {  	_ =	shalt  }
0x87: {  	_ =	shalt  }
.Lfunc_end0:
.L_simem_size_0:
called_computation_lowered:
.L_overlay_start_0:
0x88: {  	s2 =	sld [smem:$0x3FD9]  }
0x89: {  	s3 =	sld [smem:$0x3FFE];
	_ =	sdelay $0x1  }
0x8a: {  	s1 =	srdreg.scid  }
0x8b: {  	s0 =	sand.u32 $0x1, s1  }
0x8c: {  	s17 =	sshll.u32 s0, $0xA;
	s2 =	sadd.s32 s3, s2  }
0x8d: {  	s2 =	sadd.s32 s2, s17  }
0x8e: {  	[smem:$0x3FC3] =	sst s2  }
0x8f: {  	_ = 	snop  }
0x90: {  	s2 =	sld [smem:$0x3FC9]  }
0x91: {  	s18 =	sld [smem:$0x3FD0];
	(tm) =	ssettm $0x1  }
0x92: {  	s4 =	sld [smem:$0x3FFB];
	_ =	sdelay $0x3  }
0x93: {  	_ =	strace s4  }
0x94: {  	s4 =	sld [smem:$0x3FFC];
	_ =	sdelay $0x3  }
0x95: {  	_ =	strace s4  }
0x96: {  	s4 =	sld [smem:$0x3FFD];
	_ =	sdelay $0x3  }
0x97: {  	_ =	strace s4  }
0x98: {  	_ =	strace $0x8FFFFFFF  }
0x99: {  	s19 =	sld [smem:$0x3FDB];
	_ =	sdelay $0x1  }
0x9a: {  	s5 =	simm.s32 $_scs_section_size  }
0x9b: {  	s6 =	simm.s32 $_size__tile_overlayer_lowered;
	s7 =	simm.s32 $_tile_overlayer_lowered  }
0x9c: {  	s22 =	simm.s32 $0x1BFF;
	s21 =	sshll.u32 s7, $0x1;
	s4 =	sadd.s32 s5, s19  }
0x9d: {  	s8 =	simm.s32 $0x0;
	s20 =	sshll.u32 s6, $0x1;
	s6 =	sadd.s32 s21, s4  }
0x9e: {  	[timem:s8], [sflag:s22] =	dma.local [hbm:s6], s20  }
0x9f: {  	_ =	swait.ge [sflag:s22], s20  }
0xa0: {  	s5 =	ssub.s32 $0x0, s20;
	[sflag:s22] =	ssyncset.done $0x0  }
0xa1: {  	[sflag:s22] =	ssyncadd.s32 s5;
	_ =	sdelay $0x1  }
0xa2: {  	s23 =	simm.s32 $0x1B8B  }
0xa3: {  	_ =	swait.ge [sflag:s23], $0x1  }
0xa4: {  	[sflag:s23] =	ssyncset.done $0x0  }
0xa5: {  	s25 =	simm.s32 $0x1B8E;
	s24 =	sld [smem:$0x3FFE];
	[sflag:s23] =	ssyncadd.s32 $0xFFFFFFFF  }
0xa6: {  	s26 =	simm.s32 $execute0_lowered;
	[smem:$0x3FD2] =	sst s25  }
0xa7: {  	s6 =	sshll.u32 s26, $0x1;
	_ =	strace $0x80000046;
	[dreg:$0x1] =	wrdreg $0xFFFFFFFF  }
0xa8: {  	s28 =	simm.s32 $_size_execute0_lowered;
	s4 =	sadd.s32 s4, s6;
	[dreg:$0x0] =	wrdreg $0x0  }
0xa9: {  	s6 =	sshll.u32 s28, $0x1;
	[dreg:$0x2] =	wrdreg s4  }
0xaa: {  	[dreg:$0x3] =	wrdreg s6  }
0xab: {  	[dreg:$0x4] =	wrdreg $0xC0  }
0xac: {  	_ =	task [dreg:s8], $0x5FFFF  }
0xad: {  	[dreg:$0x1] =	wrdreg $0xFFFFFFFF  }
0xae: {  	[dreg:$0x0] =	wrdreg $0x60  }
0xaf: {  	[dreg:$0x2] =	wrdreg s2  }
0xb0: {  	[dreg:$0x3] =	wrdreg s18  }
0xb1: {  	[dreg:$0x4] =	wrdreg s24  }
0xb2: {  	[dreg:$0x5] =	wrdreg $0x4F800  }
0xb3: {  	[dreg:$0x6] =	wrdreg $0x9  }
0xb4: {  	_ =	task.clear_ibuf [dreg:s8], $0x7FFFF;
	_ =	strace $0x90000046  }
0xb5: {  	s29 =	simm.s32 $0x9;
	_ =	strace $0x80000048  }
0xb6: {  	_ =	swait.ge [sflag:s29], $0x1  }
0xb7: {  	[sflag:s29] =	ssyncadd.s32 $0xFFFFFFFF  }
0xb8: {  	_ =	strace $0x90000048  }
0xb9: {  	_ =	sfence  }
0xba: {  	s30 =	sld [smem:$0x0];
	_ =	sdelay $0x2  }
0xbb: {  	s31 =	sshll.u32 s1, $0xD;
	s1 =	sshrl.u32 s1, $0x2  }
0xbc: {  	s3 =	sand.u32 $0x4000, s31;
	s1 =	sadd.s32 s1, s30  }
0xbd: {  	s0 =	sor.u32 s3, s0;
	s1 =	sshll.u32 s1, $0x11  }
0xbe: {  	s0 =	sor.u32 s1, s0  }
0xbf: {  	s0 =	sadd.s32 $0x8F2B, s0  }
0xc0: {  	[sflag:s0] =	ssyncadd.remote.s32 $0x1  }
0xc1: {  	_ =	sfence.sel $0xFFFF  }
0xc2: {  	[dreg:$0x0] =	wrdreg $0xFFFFFFFF;
	(pc) =	sbr.abs _section_cstart, $3  }
0xc3: {  	[dreg:$0x1] =	wrdreg $0xFFFFFFFF  }
0xc4: {  	_ =	task.clear_ibuf [dreg:s8], $0x2FFFF;
	_ =	strace $0x9FFFFFFF  }
0xc5: {  	(tm) =	ssettm $0x7FFFFFFF  }
tec
execute0_lowered:
.L_overlay_start_1:
0x0: {  	(tag) =	ssettag $0x1  }
0x1: {  	s6 =	rddreg [dreg:$0x0]  }
0x2: {  	s7 =	rddreg [dreg:$0x1]  }
0x3: {  	s4 =	rddreg [dreg:$0x2]  }
0x4: {  	s2 =	rddreg [dreg:$0x3]  }
0x5: {  	s0 =	rddreg [dreg:$0x4]  }
0x6: {  	s3 =	simm.s32 $0x0;
	s1 =	stileid.u32;
	s5 =	srdreg.scid  }
0x7: {  	s14 =	simm.s32 $0x2780;
	s15 =	simm.s32 $0x1;
	s8 =	smul.u32 $0x4E200, s1  }
0x8: {  	s16 =	simm.s32 $0x0;
	[smem:$0x7FF] =	sst s3;
	s10 =	smul.u32 $0x4E000, s1  }
0x9: {  	s5 =	sand.u32 $0x1, s5;
	s11 =	sshll.u32 s1, $0x1;
	s12 =	smul.u32 $0x2700, s1  }
0xa: {  	s29 =	sshll.u32 s1, $0x6;
	s30 =	sadd.s32 $0x138000, s2;
	_ =	strace $0x80000047  }
0xb: {  	s9 =	ssub.s32 $0x2, s5;
	s11 =	sor.u32 s5, s11;
	s13 =	smul.u32 $0x27100, s5  }
0xc: {  	s5 =	sor.u32 $0x1C02, s29;
	s8 =	sadd.s32 s8, s4;
	s28 =	sshrl.u32 s9, $0x1  }
0xd: {  	s10 =	sshrl.u32 s10, $0x2;
	s11 =	smul.u32 $0x2710, s11;
	s4 =	sadd.s32 s6, s12  }
0xe: {  	s6 =	sadd.s32 $0x27000, s6;
	s12 =	sshrl.u32 s30, $0x3;
	s9 =	ssub.s32 s9, s28  }
0xf: {  	s10 =	sadd.s32 s10, s2;
	s31 =	sadd.s32 s13, s8;
	s13 =	simm.s32 $0x50  }
0x10: {  	s11 =	sshrl.u32 s11, $0x3;
	s8 =	smax.u32 s9, $0x1;
	s9 =	sadd.s32 $0x400, s31  }
0x11: {  	s10 =	sshrl.u32 s10, $0x3;
	s7 =	sadd.s32 s7, s11;
	s11 =	simm.s32 $0x2  }
.LBB2_1:
0x12: {  	[spmem:s10], [sflag:s5] =	dma.local [hbm:s4], $0x2700  }
0x13: {  	_ =	swait.ge [sflag:s11], $0x2700  }
0x14: {  	[sflag:s11] =	ssyncset.done $0x0  }
0x15: {  	[sflag:s11] =	ssyncadd.s32 $0xFFFFD900  }
0x16: {  	[spmem:s12], [sflag:s5] =	dma.local [hbm:s6], $0x100  }
0x17: {  	_ =	swait.ge [sflag:s11], $0x100  }
0x18: {  	[sflag:s11] =	ssyncset.done $0x0  }
0x19: {  	[sflag:s11] =	ssyncadd.s32 $0xFFFFFF00  }
0x1a: {  	[tilespmem:s3], [sflag:$0x2] =	stream.linear.gather [hbm4b:s7+s3], $0x2710, $0x38;
	[tilespmem:$0x18800] =	vst v63  }
0x1b: {  	_ =	swait.ge [sflag:s11], $0x2710  }
0x1c: {  	[sflag:s11] =	ssyncset.done $0x0  }
0x1d: {  	[sflag:s11] =	ssyncadd.s32 $0xFFFFD8F0  }
0x1e: {  	s17 =	simm.s32 $0x0;
	[bflag:$0x0] =	sbarrier.arrive $0xFFFF  }
0x1f: {  	[tilespmem:s14], [sflag:$0x1] =	stream.indirect.gather [spmem:s2], $0x80, s17, s13, $0xb8;
	[tilespmem:$0x18800] =	vst v63  }
0x20: {  	_ =	swait.ge [sflag:s15], $0x2800  }
0x21: {  	[sflag:s15] =	ssyncset.done $0x0  }
0x22: {  	[sflag:s15] =	ssyncadd.s32 $0xFFFFD800  }
0x23: {  	[hbm4b:s9+s3] =	stream.linear.scatter [tilespmem:s14], [sflag:$0x2], $0x2800, $0x38;
	[tilespmem:$0x18800] =	vst v63  }
0x24: {  	s18 =	simm.s32 $0x140;
	_ =	swait.ge [sflag:s11], $0x2800  }
0x25: {  	s19 =	simm.s32 $0x280;
	s17 =	sadd.s32 $0x500, s9;
	[sflag:s11] =	ssyncset.done $0x0  }
.LBB2_2:
0x26: {  	s20 =	sshra.s32 s18, $0x2  }
0x27: {  	[sflag:s11] =	ssyncadd.s32 $0xFFFFD800;
	s18 =	smov.u32 s19;
	s21 =	sadd.s32 $0x140, s19  }
0x28: {  	[tilespmem:s14], [sflag:$0x1] =	stream.indirect.gather [spmem:s2], $0x80, s20, s13, $0xb8;
	[tilespmem:$0x18800] =	vst v63  }
0x29: {  	p0 =	sne.s32 s19, $0x9B00;
	_ =	swait.ge [sflag:s15], $0x2800  }
.Ltmp0:
0x2a: {  	[sflag:s15] =	ssyncset.done $0x0;
	(pc) =	sbr.rel @p0 .LBB2_2-.Ltmp0, $4  }
0x2b: {  	[sflag:s15] =	ssyncadd.s32 $0xFFFFD800  }
0x2c: {  	[hbm4b:s17+s3] =	stream.linear.scatter [tilespmem:s14], [sflag:$0x2], $0x2800, $0x38;
	[tilespmem:$0x18800] =	vst v63  }
0x2d: {  	_ =	swait.ge [sflag:s11], $0x2800  }
0x2e: {  	s19 =	smov.u32 s21;
	s17 =	sadd.s32 $0x500, s17;
	[sflag:s11] =	ssyncset.done $0x0  }
0x2f: {  	s18 =	sshra.s32 s18, $0x2;
	[sflag:s11] =	ssyncadd.s32 $0xFFFFD800  }
0x30: {  	[tilespmem:s14], [sflag:$0x1] =	stream.indirect.gather [spmem:s2], $0x80, s18, s13, $0xb8;
	[tilespmem:$0x18800] =	vst v63  }
0x31: {  	s16 =	sadd.s32 $0x1, s16;
	_ =	swait.ge [sflag:s15], $0x2800  }
0x32: {  	p0 =	sne.s32 s16, s8;
	[sflag:s15] =	ssyncset.done $0x0  }
.Ltmp1:
0x33: {  	[sflag:s15] =	ssyncadd.s32 $0xFFFFD800;
	(pc) =	sbr.rel @p0 .LBB2_1-.Ltmp1, $4  }
0x34: {  	[hbm4b:s17+s3] =	stream.linear.scatter [tilespmem:s14], [sflag:$0x2], $0x2800, $0x38;
	[tilespmem:$0x18800] =	vst v63  }
0x35: {  	_ =	swait.ge [sflag:s11], $0x2800  }
0x36: {  	[sflag:s11] =	ssyncset.done $0x0  }
0x37: {  	[sflag:s11] =	ssyncadd.s32 $0xFFFFD800  }
0x38: {  	_ =	sfence.sel $0x180000  }
0x39: {  	[bflag:$0x0] =	sbarrier.arrive $0xFFFF  }
0x3a: {  	p0 =	sne.s32 s1, $0x0;
	_ =	strace $0x90000047  }
0x3b: {  	s0 =	sadd.s32 @!p0 $0x100000, s0;
	[bflag:$0x2] =	sbarrier.arrive $0xFFFF  }
0x3c: {  	[sflag:s0] =	ssyncadd.tile.s32 @!p0 $0x1;
	_ =	shalt  }
.Lfunc_end2:
_tile_overlayer_lowered:
.L_overlay_start_2:
0x3d: {  	(tag) =	ssettag $0x2  }
0x3e: {  	s0 =	rddreg [dreg:$0x0];
	s2 =	stileid.u32  }
0x3f: {  	s1 =	rddreg [dreg:$0x1];
	p0 =	sne.s32 s2, $0x0  }
0x40: {  	s3 =	rddreg [dreg:$0x2];
	[bflag:$0x3] =	sbarrier.arrive $0xFFFF;
	s2 =	simm.s32 @!p0 $0x1C02  }
0x41: {  	[timem:s3], [sflag:s2] =	dma.local @!p0 [hbm:s0], s1  }
0x42: {  	s0 =	simm.s32 @!p0 $0x2  }
0x43: {  	_ =	swait.ge @!p0 [sflag:s0], s1  }
0x44: {  	s1 =	ssub.s32 @!p0 $0x0, s1;
	[sflag:s0] =	ssyncset.done @!p0 $0x0  }
0x45: {  	[sflag:s0] =	ssyncadd.s32 @!p0 s1  }
0x46: {  	[bflag:$0x3] =	sbarrier.arrive $0xFFFF  }
0x47: {  	_ =	shalt  }

</sc_bundles>
